<compile_context>
chip_gen: v7x
topology: tpu7x:2x2x1
jax: 0.10.2.dev20260603
libtpu: 0.0.44.dev20260713+nightly
codegen_flags: <defaults>
</compile_context>

<pallas_src>
import functools

import jax
import jax.numpy as jnp
from jax import lax
from jax.experimental import pallas as pl
from jax.experimental.pallas import tpu as pltpu
from jax.experimental.pallas import tpu_sc as plsc

_NUM_EMBEDDINGS = 1024
_EMBEDDING_DIM = 64
_BETA = 0.25
_N_ROWS = 16 * 1024
_BLOCK = 2048
_GRID = _N_ROWS // _BLOCK

_SC_CORES = 2
_SC_SUBCORES = 16
_SC_WORKERS = _SC_CORES * _SC_SUBCORES
_ROWS_PER_WORKER = _N_ROWS // _SC_WORKERS
_PAD_DIM = 128


def _vq_block(x_ref, c_ref, idx_ref, counts_ref, loss_ref, perp_ref):
    g = pl.program_id(0)

    x = x_ref[...]
    c = c_ref[...]

    xx = jnp.sum(x * x, axis=1, keepdims=True)
    cc = jnp.sum(c * c, axis=0, keepdims=True)
    m = jnp.dot(x.astype(jnp.bfloat16), c.astype(jnp.bfloat16),
                preferred_element_type=jnp.float32)
    d = (xx - 2.0 * m) + cc

    dmin = jnp.min(d, axis=1, keepdims=True)
    onehot = (d == dmin).astype(jnp.float32)

    iota_row = lax.broadcasted_iota(
        jnp.int32, d.shape, 1).astype(jnp.float32)
    idx_f = jnp.sum(onehot * iota_row, axis=1, keepdims=True)
    idx = jnp.minimum(idx_f, float(_NUM_EMBEDDINGS - 1)).astype(jnp.int32)
    idx_ref[...] = idx

    @pl.when(g == 0)
    def _init():
        counts_ref[...] = jnp.zeros_like(counts_ref)
        loss_ref[0, 0] = 0.0
        perp_ref[0, 0] = 0.0

    counts_ref[...] += jnp.sum(onehot, axis=0, keepdims=True)
    loss_ref[0, 0] += jnp.sum(dmin)

    @pl.when(g == _GRID - 1)
    def _finalize():
        loss_ref[0, 0] = loss_ref[0, 0] * (_BETA / (_N_ROWS * _EMBEDDING_DIM))
        p = counts_ref[...] * (1.0 / _N_ROWS)
        ent = -jnp.sum(p * jnp.log(p + 1e-10))
        perp_ref[0, 0] = jnp.exp(ent)


@functools.partial(
    pl.kernel,
    mesh=plsc.VectorSubcoreMesh(core_axis_name="c", subcore_axis_name="s",
                                num_cores=_SC_CORES),
    out_type=jax.ShapeDtypeStruct((_N_ROWS, _PAD_DIM), jnp.float32),
    scratch_types=[
        pltpu.VMEM((_ROWS_PER_WORKER,), jnp.int32),
        pltpu.VMEM((_ROWS_PER_WORKER, _PAD_DIM), jnp.float32),
        pltpu.SemaphoreType.DMA,
    ],
)
def _sc_gather(ct_hbm, idx_hbm, out_hbm, idx_v, rows_v, sem):
    wid = lax.axis_index("s") * _SC_CORES + lax.axis_index("c")
    base = wid * _ROWS_PER_WORKER
    pltpu.sync_copy(idx_hbm.at[pl.ds(base, _ROWS_PER_WORKER)], idx_v)
    copies = []
    for k in range(_ROWS_PER_WORKER // 128):
        copies.append(pltpu.async_copy(
            ct_hbm.at[idx_v.at[pl.ds(k * 128, 128)]],
            rows_v.at[pl.ds(k * 128, 128)], sem))
    for cp in copies:
        cp.wait()
    pltpu.sync_copy(rows_v, out_hbm.at[pl.ds(base, _ROWS_PER_WORKER)])


@jax.jit
def _vq_forward(flat_inputs, codebook, codebook_t):
    idx, counts, loss, perp = pl.pallas_call(
        _vq_block,
        grid=(_GRID,),
        in_specs=[
            pl.BlockSpec((_BLOCK, _EMBEDDING_DIM), lambda g: (g, 0)),
            pl.BlockSpec((_EMBEDDING_DIM, _NUM_EMBEDDINGS), lambda g: (0, 0)),
        ],
        out_specs=[
            pl.BlockSpec((_BLOCK, 1), lambda g: (g, 0)),
            pl.BlockSpec((1, _NUM_EMBEDDINGS), lambda g: (0, 0)),
            pl.BlockSpec(memory_space=pltpu.SMEM),
            pl.BlockSpec(memory_space=pltpu.SMEM),
        ],
        out_shape=[
            jax.ShapeDtypeStruct((_N_ROWS, 1), jnp.int32),
            jax.ShapeDtypeStruct((1, _NUM_EMBEDDINGS), jnp.float32),
            jax.ShapeDtypeStruct((1, 1), jnp.float32),
            jax.ShapeDtypeStruct((1, 1), jnp.float32),
        ],
    )(flat_inputs, codebook)
    q_pad = _sc_gather(codebook_t, jnp.reshape(idx, (_N_ROWS,)))
    return q_pad[:, :_EMBEDDING_DIM], loss[0, 0], perp[0, 0]


def kernel(inputs, codebook, training=True):
    flat_inputs = jnp.reshape(inputs, (-1, _EMBEDDING_DIM))
    ct_pad = jnp.pad(codebook.T, ((0, 0), (0, _PAD_DIM - _EMBEDDING_DIM)))
    q, loss, perp = _vq_forward(flat_inputs, codebook, ct_pad)
    ste = jnp.reshape(q, inputs.shape)
    return ste, perp, loss

# --- scband reference (transcript-rebuilt; emitter-appended) ---
"""Pipeline reference for scband-vector-quantizer-ema-76587856823007 (READ-ONLY COPY).

The authoritative reference and input builder live on the scoring server;
editing this copy changes nothing except your own understanding.
"""

import jax, jax.numpy as jnp
import numpy as np

NUM_EMBEDDINGS = 1024
EMBEDDING_DIM = 64
BETA = 0.25
GAMMA = 0.99
EPSILON = 1e-05


def setup_inputs(seed: int = 0) -> dict:
    key = jax.random.key(seed)
    k1, k2 = jax.random.split(key)
    inputs = jax.random.normal(k1, (16, 1024, 64), dtype=jnp.float32)
    # lecun_uniform init for codebook of shape (embedding_dim, num_embeddings): fan_in = embedding_dim
    limit = float(np.sqrt(3.0 / EMBEDDING_DIM))
    codebook = jax.random.uniform(k2, (EMBEDDING_DIM, NUM_EMBEDDINGS), minval=-limit, maxval=limit, dtype=jnp.float32)
    return {"inputs": inputs, "codebook": codebook, "training": True}


def _ema_update(hidden, counter, value, decay):
    # Faithful to EMA module with freshly-initialized (zero) state, counter 0 -> 1.
    counter = counter + 1
    decay = jax.lax.convert_element_type(decay, value.dtype)
    one = jnp.ones([], value.dtype)
    hidden = hidden * decay + value * (one - decay)
    average = hidden / (one - jnp.power(decay, counter))
    return average


def reference(inputs, codebook, training=True):
    flat_inputs = jnp.reshape(inputs, (-1, EMBEDDING_DIM))
    distances = (jnp.sum(jnp.square(flat_inputs), 1, keepdims=True)
                 - 2 * jnp.matmul(flat_inputs, codebook)
                 + jnp.sum(jnp.square(codebook), 0, keepdims=True))
    encoding_indices = jnp.argmin(distances, 1)
    encodings = jax.nn.one_hot(encoding_indices, NUM_EMBEDDINGS, dtype=distances.dtype)
    flat_quantized = jnp.take(codebook, encoding_indices, axis=1).swapaxes(1, 0)
    quantized = jnp.reshape(flat_quantized, inputs.shape)
    loss = BETA * jnp.mean(jnp.square(jax.lax.stop_gradient(quantized) - inputs))

    def _training_branch(operands):
        flat_inputs, encodings = operands
        cluster_size = jnp.sum(encodings, axis=0)
        updated_ema_cluster_size = _ema_update(
            jnp.zeros((NUM_EMBEDDINGS,), jnp.float32), jnp.zeros((), jnp.int32), cluster_size, GAMMA)
        dw = jnp.matmul(flat_inputs.T, encodings)
        updated_ema_dw = _ema_update(
            jnp.zeros((EMBEDDING_DIM, NUM_EMBEDDINGS), jnp.float32), jnp.zeros((), jnp.int32), dw, GAMMA)
        n = jnp.sum(updated_ema_cluster_size)
        updated_ema_cluster_size = (updated_ema_cluster_size + EPSILON) / (n + NUM_EMBEDDINGS * EPSILON) * n
        normalised_updated_ema_w = updated_ema_dw / jnp.reshape(updated_ema_cluster_size, [1, -1])
        # state update of codebook (batch_stats); computed to keep training-branch FLOPs faithful
        return normalised_updated_ema_w

    def _inference_branch(operands):
        return jnp.zeros((EMBEDDING_DIM, NUM_EMBEDDINGS), jnp.float32)

    _ = jax.lax.cond(training, _training_branch, _inference_branch, (flat_inputs, encodings))
    ste = inputs + jax.lax.stop_gradient(quantized - inputs)
    avg_probs = jnp.mean(encodings, 0)
    perplexity = jnp.exp(-jnp.sum(avg_probs * jnp.log(avg_probs + 1e-10)))
    return (ste, perplexity, loss)

if __name__ == "__main__":
    import jax
    _d = setup_inputs()
    print(jax.jit(kernel)(*tuple(_d.values())))

</pallas_src>

<mosaic_0001>
#map = affine_map<(d0, d1) -> (0, 0)>
#map1 = affine_map<(d0, d1) -> (0)>
module attributes {stable_mosaic.version = 14 : i64} {
  func.func @_sc_gather(%arg0: i32, %arg1: i32, %arg2: memref<1024x128xf32, #tpu.memory_space<hbm>>, %arg3: memref<16384xi32, #tpu.memory_space<hbm>>, %arg4: memref<16384x128xf32, #tpu.memory_space<hbm>>, %arg5: memref<512xi32, #tpu.memory_space<vmem>>, %arg6: memref<512x128xf32, #tpu.memory_space<vmem>>, %arg7: memref<!tpu.dma_semaphore, #tpu.memory_space<semaphore_mem>>) attributes {dimension_semantics = [#tpu.dimension_semantics<core_parallel>, #tpu.dimension_semantics<subcore_parallel>], iteration_bounds = array<i64: 2, 16>, scalar_prefetch = 0 : i64, scratch_operands = 3 : i64, tpu.core_type = #tpu.core_type<sc_vector_subcore>, window_params = [{transform_indices = #map}, {transform_indices = #map1}, {transform_indices = #map}]} {
    %mul3A = arith.constant 2 : i32
    %mul3A_0 = arith.muli %arg1, %mul3A : i32
    %add3A = arith.addi %mul3A_0, %arg0 : i32
    %mul3A_1 = arith.constant 512 : i32
    %mul3A_2 = arith.muli %add3A, %mul3A_1 : i32
    "tpu.region"() ({
      %run_scoped3A = tpu.sem_alloc : memref<!tpu.dma_semaphore, #tpu.memory_space<semaphore_mem>>
      %dma_start3A_65 = tpu.memref_slice %arg3[%mul3A_2] : memref<16384xi32, #tpu.memory_space<hbm>> -> memref<512xi32, #tpu.memory_space<hbm>>
      %dma_start3A_66 = tpu.memref_slice %arg3[%mul3A_2] : memref<16384xi32, #tpu.memory_space<hbm>> -> memref<512xi32, #tpu.memory_space<hbm>>
      tpu.enqueue_dma source(%dma_start3A_66 : memref<512xi32, #tpu.memory_space<hbm>>) target(%arg5 : memref<512xi32, #tpu.memory_space<vmem>>) target_semaphore(%run_scoped3A : memref<!tpu.dma_semaphore, #tpu.memory_space<semaphore_mem>>)
      %dma_wait3A_67 = tpu.memref_slice %arg3[%mul3A_2] : memref<16384xi32, #tpu.memory_space<hbm>> -> memref<512xi32, #tpu.memory_space<hbm>>
      %dma_wait3A_68 = tpu.memref_slice %arg3[%mul3A_2] : memref<16384xi32, #tpu.memory_space<hbm>> -> memref<512xi32, #tpu.memory_space<hbm>>
      tpu.wait_dma2 semaphore(%run_scoped3A : memref<!tpu.dma_semaphore, #tpu.memory_space<semaphore_mem>>) src(%dma_wait3A_68 : memref<512xi32, #tpu.memory_space<hbm>>) dst(%arg5 : memref<512xi32, #tpu.memory_space<vmem>>)
      tpu.yield
    }) : () -> ()
    %dma_start3A = arith.constant 0 : i32
    %dma_start3A_3 = arith.constant 0 : i32
    %dma_start3A_4 = tpu.memref_slice %arg6[%dma_start3A, %dma_start3A_3] : memref<512x128xf32, #tpu.memory_space<vmem>> -> memref<128x128xf32, #tpu.memory_space<vmem>>
    %dma_start3A_5 = arith.constant 0 : i32
    %dma_start3A_6 = tpu.memref_slice %arg5[%dma_start3A_5] : memref<512xi32, #tpu.memory_space<vmem>> -> memref<128xi32, #tpu.memory_space<vmem>>
    %dma_start3A_7 = arith.constant 0 : i32
    %dma_start3A_8 = arith.constant 0 : i32
    %dma_start3A_9 = tpu.memref_slice %arg2[%dma_start3A_7, %dma_start3A_8] : memref<1024x128xf32, #tpu.memory_space<hbm>> -> memref<1024x128xf32, #tpu.memory_space<hbm>>
    tpu.enqueue_indirect_dma source(%dma_start3A_9 : memref<1024x128xf32, #tpu.memory_space<hbm>>) target(%dma_start3A_4 : memref<128x128xf32, #tpu.memory_space<vmem>>) offsets(%dma_start3A_6 : memref<128xi32, #tpu.memory_space<vmem>>) semaphore(%arg7 : memref<!tpu.dma_semaphore, #tpu.memory_space<semaphore_mem>>)
    %dma_start3A_10 = arith.constant 128 : i32
    %dma_start3A_11 = arith.constant 0 : i32
    %dma_start3A_12 = tpu.memref_slice %arg6[%dma_start3A_10, %dma_start3A_11] : memref<512x128xf32, #tpu.memory_space<vmem>> -> memref<128x128xf32, #tpu.memory_space<vmem>>
    %dma_start3A_13 = arith.constant 128 : i32
    %dma_start3A_14 = tpu.memref_slice %arg5[%dma_start3A_13] : memref<512xi32, #tpu.memory_space<vmem>> -> memref<128xi32, #tpu.memory_space<vmem>>
    %dma_start3A_15 = arith.constant 0 : i32
    %dma_start3A_16 = arith.constant 0 : i32
    %dma_start3A_17 = tpu.memref_slice %arg2[%dma_start3A_15, %dma_start3A_16] : memref<1024x128xf32, #tpu.memory_space<hbm>> -> memref<1024x128xf32, #tpu.memory_space<hbm>>
    tpu.enqueue_indirect_dma source(%dma_start3A_17 : memref<1024x128xf32, #tpu.memory_space<hbm>>) target(%dma_start3A_12 : memref<128x128xf32, #tpu.memory_space<vmem>>) offsets(%dma_start3A_14 : memref<128xi32, #tpu.memory_space<vmem>>) semaphore(%arg7 : memref<!tpu.dma_semaphore, #tpu.memory_space<semaphore_mem>>)
    %dma_start3A_18 = arith.constant 256 : i32
    %dma_start3A_19 = arith.constant 0 : i32
    %dma_start3A_20 = tpu.memref_slice %arg6[%dma_start3A_18, %dma_start3A_19] : memref<512x128xf32, #tpu.memory_space<vmem>> -> memref<128x128xf32, #tpu.memory_space<vmem>>
    %dma_start3A_21 = arith.constant 256 : i32
    %dma_start3A_22 = tpu.memref_slice %arg5[%dma_start3A_21] : memref<512xi32, #tpu.memory_space<vmem>> -> memref<128xi32, #tpu.memory_space<vmem>>
    %dma_start3A_23 = arith.constant 0 : i32
    %dma_start3A_24 = arith.constant 0 : i32
    %dma_start3A_25 = tpu.memref_slice %arg2[%dma_start3A_23, %dma_start3A_24] : memref<1024x128xf32, #tpu.memory_space<hbm>> -> memref<1024x128xf32, #tpu.memory_space<hbm>>
    tpu.enqueue_indirect_dma source(%dma_start3A_25 : memref<1024x128xf32, #tpu.memory_space<hbm>>) target(%dma_start3A_20 : memref<128x128xf32, #tpu.memory_space<vmem>>) offsets(%dma_start3A_22 : memref<128xi32, #tpu.memory_space<vmem>>) semaphore(%arg7 : memref<!tpu.dma_semaphore, #tpu.memory_space<semaphore_mem>>)
    %dma_start3A_26 = arith.constant 384 : i32
    %dma_start3A_27 = arith.constant 0 : i32
    %dma_start3A_28 = tpu.memref_slice %arg6[%dma_start3A_26, %dma_start3A_27] : memref<512x128xf32, #tpu.memory_space<vmem>> -> memref<128x128xf32, #tpu.memory_space<vmem>>
    %dma_start3A_29 = arith.constant 384 : i32
    %dma_start3A_30 = tpu.memref_slice %arg5[%dma_start3A_29] : memref<512xi32, #tpu.memory_space<vmem>> -> memref<128xi32, #tpu.memory_space<vmem>>
    %dma_start3A_31 = arith.constant 0 : i32
    %dma_start3A_32 = arith.constant 0 : i32
    %dma_start3A_33 = tpu.memref_slice %arg2[%dma_start3A_31, %dma_start3A_32] : memref<1024x128xf32, #tpu.memory_space<hbm>> -> memref<1024x128xf32, #tpu.memory_space<hbm>>
    tpu.enqueue_indirect_dma source(%dma_start3A_33 : memref<1024x128xf32, #tpu.memory_space<hbm>>) target(%dma_start3A_28 : memref<128x128xf32, #tpu.memory_space<vmem>>) offsets(%dma_start3A_30 : memref<128xi32, #tpu.memory_space<vmem>>) semaphore(%arg7 : memref<!tpu.dma_semaphore, #tpu.memory_space<semaphore_mem>>)
    %dma_wait3A = arith.constant 0 : i32
    %dma_wait3A_34 = arith.constant 0 : i32
    %dma_wait3A_35 = tpu.memref_slice %arg6[%dma_wait3A, %dma_wait3A_34] : memref<512x128xf32, #tpu.memory_space<vmem>> -> memref<128x128xf32, #tpu.memory_space<vmem>>
    %dma_wait3A_36 = arith.constant 0 : i32
    %dma_wait3A_37 = tpu.memref_slice %arg5[%dma_wait3A_36] : memref<512xi32, #tpu.memory_space<vmem>> -> memref<128xi32, #tpu.memory_space<vmem>>
    %dma_wait3A_38 = arith.constant 0 : i32
    %dma_wait3A_39 = arith.constant 0 : i32
    %dma_wait3A_40 = tpu.memref_slice %arg2[%dma_wait3A_38, %dma_wait3A_39] : memref<1024x128xf32, #tpu.memory_space<hbm>> -> memref<1024x128xf32, #tpu.memory_space<hbm>>
    tpu.wait_indirect_dma semaphore(%arg7 : memref<!tpu.dma_semaphore, #tpu.memory_space<semaphore_mem>>) src(%dma_wait3A_40 : memref<1024x128xf32, #tpu.memory_space<hbm>>) dst(%dma_wait3A_35 : memref<128x128xf32, #tpu.memory_space<vmem>>)
    %dma_wait3A_41 = arith.constant 128 : i32
    %dma_wait3A_42 = arith.constant 0 : i32
    %dma_wait3A_43 = tpu.memref_slice %arg6[%dma_wait3A_41, %dma_wait3A_42] : memref<512x128xf32, #tpu.memory_space<vmem>> -> memref<128x128xf32, #tpu.memory_space<vmem>>
    %dma_wait3A_44 = arith.constant 128 : i32
    %dma_wait3A_45 = tpu.memref_slice %arg5[%dma_wait3A_44] : memref<512xi32, #tpu.memory_space<vmem>> -> memref<128xi32, #tpu.memory_space<vmem>>
    %dma_wait3A_46 = arith.constant 0 : i32
    %dma_wait3A_47 = arith.constant 0 : i32
    %dma_wait3A_48 = tpu.memref_slice %arg2[%dma_wait3A_46, %dma_wait3A_47] : memref<1024x128xf32, #tpu.memory_space<hbm>> -> memref<1024x128xf32, #tpu.memory_space<hbm>>
    tpu.wait_indirect_dma semaphore(%arg7 : memref<!tpu.dma_semaphore, #tpu.memory_space<semaphore_mem>>) src(%dma_wait3A_48 : memref<1024x128xf32, #tpu.memory_space<hbm>>) dst(%dma_wait3A_43 : memref<128x128xf32, #tpu.memory_space<vmem>>)
    %dma_wait3A_49 = arith.constant 256 : i32
    %dma_wait3A_50 = arith.constant 0 : i32
    %dma_wait3A_51 = tpu.memref_slice %arg6[%dma_wait3A_49, %dma_wait3A_50] : memref<512x128xf32, #tpu.memory_space<vmem>> -> memref<128x128xf32, #tpu.memory_space<vmem>>
    %dma_wait3A_52 = arith.constant 256 : i32
    %dma_wait3A_53 = tpu.memref_slice %arg5[%dma_wait3A_52] : memref<512xi32, #tpu.memory_space<vmem>> -> memref<128xi32, #tpu.memory_space<vmem>>
    %dma_wait3A_54 = arith.constant 0 : i32
    %dma_wait3A_55 = arith.constant 0 : i32
    %dma_wait3A_56 = tpu.memref_slice %arg2[%dma_wait3A_54, %dma_wait3A_55] : memref<1024x128xf32, #tpu.memory_space<hbm>> -> memref<1024x128xf32, #tpu.memory_space<hbm>>
    tpu.wait_indirect_dma semaphore(%arg7 : memref<!tpu.dma_semaphore, #tpu.memory_space<semaphore_mem>>) src(%dma_wait3A_56 : memref<1024x128xf32, #tpu.memory_space<hbm>>) dst(%dma_wait3A_51 : memref<128x128xf32, #tpu.memory_space<vmem>>)
    %dma_wait3A_57 = arith.constant 384 : i32
    %dma_wait3A_58 = arith.constant 0 : i32
    %dma_wait3A_59 = tpu.memref_slice %arg6[%dma_wait3A_57, %dma_wait3A_58] : memref<512x128xf32, #tpu.memory_space<vmem>> -> memref<128x128xf32, #tpu.memory_space<vmem>>
    %dma_wait3A_60 = arith.constant 384 : i32
    %dma_wait3A_61 = tpu.memref_slice %arg5[%dma_wait3A_60] : memref<512xi32, #tpu.memory_space<vmem>> -> memref<128xi32, #tpu.memory_space<vmem>>
    %dma_wait3A_62 = arith.constant 0 : i32
    %dma_wait3A_63 = arith.constant 0 : i32
    %dma_wait3A_64 = tpu.memref_slice %arg2[%dma_wait3A_62, %dma_wait3A_63] : memref<1024x128xf32, #tpu.memory_space<hbm>> -> memref<1024x128xf32, #tpu.memory_space<hbm>>
    tpu.wait_indirect_dma semaphore(%arg7 : memref<!tpu.dma_semaphore, #tpu.memory_space<semaphore_mem>>) src(%dma_wait3A_64 : memref<1024x128xf32, #tpu.memory_space<hbm>>) dst(%dma_wait3A_59 : memref<128x128xf32, #tpu.memory_space<vmem>>)
    "tpu.region"() ({
      %run_scoped3A = tpu.sem_alloc : memref<!tpu.dma_semaphore, #tpu.memory_space<semaphore_mem>>
      %dma_start3A_65 = arith.constant 0 : i32
      %dma_start3A_66 = tpu.memref_slice %arg4[%mul3A_2, %dma_start3A_65] : memref<16384x128xf32, #tpu.memory_space<hbm>> -> memref<512x128xf32, #tpu.memory_space<hbm>>
      %dma_start3A_67 = arith.constant 0 : i32
      %dma_start3A_68 = tpu.memref_slice %arg4[%mul3A_2, %dma_start3A_67] : memref<16384x128xf32, #tpu.memory_space<hbm>> -> memref<512x128xf32, #tpu.memory_space<hbm>>
      tpu.enqueue_dma source(%arg6 : memref<512x128xf32, #tpu.memory_space<vmem>>) target(%dma_start3A_68 : memref<512x128xf32, #tpu.memory_space<hbm>>) target_semaphore(%run_scoped3A : memref<!tpu.dma_semaphore, #tpu.memory_space<semaphore_mem>>)
      %dma_wait3A_69 = arith.constant 0 : i32
      %dma_wait3A_70 = tpu.memref_slice %arg4[%mul3A_2, %dma_wait3A_69] : memref<16384x128xf32, #tpu.memory_space<hbm>> -> memref<512x128xf32, #tpu.memory_space<hbm>>
      %dma_wait3A_71 = arith.constant 0 : i32
      %dma_wait3A_72 = tpu.memref_slice %arg4[%mul3A_2, %dma_wait3A_71] : memref<16384x128xf32, #tpu.memory_space<hbm>> -> memref<512x128xf32, #tpu.memory_space<hbm>>
      tpu.wait_dma2 semaphore(%run_scoped3A : memref<!tpu.dma_semaphore, #tpu.memory_space<semaphore_mem>>) src(%arg6 : memref<512x128xf32, #tpu.memory_space<vmem>>) dst(%dma_wait3A_72 : memref<512x128xf32, #tpu.memory_space<hbm>>)
      tpu.yield
    }) : () -> ()
    return
  }
}

module attributes {stable_mosaic.version = 14 : i64} {
  func.func @_vq_block(%arg0: i32, %arg1: memref<2048x64xf32, #tpu.memory_space<vmem>>, %arg2: memref<64x1024xf32, #tpu.memory_space<vmem>>, %arg3: memref<2048x1xi32, #tpu.memory_space<vmem>>, %arg4: memref<1x1024xf32, #tpu.memory_space<vmem>>, %arg5: memref<1x1xf32, #tpu.memory_space<smem>>, %arg6: memref<1x1xf32, #tpu.memory_space<smem>>) attributes {dimension_semantics = [#tpu.dimension_semantics<arbitrary>], iteration_bounds = array<i64: 8>, scalar_prefetch = 0 : i64, scratch_operands = 0 : i64, tpu.core_type = #tpu.core_type<tc>, window_params = [{transform_indices = @transform_0, window_bounds = array<i64: 2048, 64>}, {pipeline_mode = #tpu.pipeline_mode<synchronous>, transform_indices = @transform_1, window_bounds = array<i64: 64, 1024>}, {transform_indices = @transform_2, window_bounds = array<i64: 2048, 1>}, {pipeline_mode = #tpu.pipeline_mode<synchronous>, transform_indices = @transform_3, window_bounds = array<i64: 1, 1024>}, {transform_indices = @transform_4, window_bounds = array<i64: 1, 1>}, {transform_indices = @transform_5, window_bounds = array<i64: 1, 1>}]} {
    %get3A = arith.constant 0 : index
    %get3A_0 = arith.constant 0 : index
    %get3A_1 = vector.load %arg1[%get3A, %get3A_0] : memref<2048x64xf32, #tpu.memory_space<vmem>>, vector<2048x64xf32>
    %get3A_2 = arith.constant 0 : index
    %get3A_3 = arith.constant 0 : index
    %get3A_4 = vector.load %arg2[%get3A_2, %get3A_3] : memref<64x1024xf32, #tpu.memory_space<vmem>>, vector<64x1024xf32>
    %mul3A = arith.mulf %get3A_1, %get3A_1 : vector<2048x64xf32>
    %reduce_sum3A = arith.constant dense<0.000000e+00> : vector<2048xf32>
    %reduce_sum3A_5 = vector.multi_reduction <add>, %mul3A, %reduce_sum3A [1] : vector<2048x64xf32> to vector<2048xf32>
    %broadcast_in_dim3A = vector.shape_cast %reduce_sum3A_5 : vector<2048xf32> to vector<2048x1xf32>
    %mul3A_6 = arith.mulf %get3A_4, %get3A_4 : vector<64x1024xf32>
    %reduce_sum3A_7 = arith.constant dense<0.000000e+00> : vector<1024xf32>
    %reduce_sum3A_8 = vector.multi_reduction <add>, %mul3A_6, %reduce_sum3A_7 [0] : vector<64x1024xf32> to vector<1024xf32>
    %broadcast_in_dim3A_9 = vector.shape_cast %reduce_sum3A_8 : vector<1024xf32> to vector<1x1024xf32>
    %convert_element_type3A = arith.truncf %get3A_1 : vector<2048x64xf32> to vector<2048x64xbf16>
    %convert_element_type3A_10 = arith.truncf %get3A_4 : vector<64x1024xf32> to vector<64x1024xbf16>
    %dot_general3A = arith.constant dense<0.000000e+00> : vector<2048x1024xf32>
    %dot_general3A_11 = tpu.matmul %convert_element_type3A, %convert_element_type3A_10, %dot_general3A {dimension_numbers = #tpu.dot_dimension_numbers<[1], [0], [0], [1], [0, 0, 1, 1], [], []>, transpose_lhs_hint = false} : vector<2048x64xbf16>, vector<64x1024xbf16>, vector<2048x1024xf32> -> vector<2048x1024xf32>
    %mul3A_12 = arith.constant 2.000000e+00 : f32
    %mul3A_13 = vector.broadcast %mul3A_12 : f32 to vector<2048x1024xf32>
    %mul3A_14 = arith.mulf %mul3A_13, %dot_general3A_11 : vector<2048x1024xf32>
    %sub3A = vector.broadcast %broadcast_in_dim3A : vector<2048x1xf32> to vector<2048x1024xf32>
    %sub3A_15 = arith.subf %sub3A, %mul3A_14 : vector<2048x1024xf32>
    %add3A = vector.broadcast %broadcast_in_dim3A_9 : vector<1x1024xf32> to vector<2048x1024xf32>
    %add3A_16 = arith.addf %sub3A_15, %add3A : vector<2048x1024xf32>
    %reduce_min3A = arith.constant dense<0x7F800000> : vector<2048xf32>
    %reduce_min3A_17 = vector.multi_reduction <minimumf>, %add3A_16, %reduce_min3A [1] : vector<2048x1024xf32> to vector<2048xf32>
    %broadcast_in_dim3A_18 = vector.shape_cast %reduce_min3A_17 : vector<2048xf32> to vector<2048x1xf32>
    %eq3A = vector.broadcast %broadcast_in_dim3A_18 : vector<2048x1xf32> to vector<2048x1024xf32>
    %eq3A_19 = arith.cmpf oeq, %add3A_16, %eq3A : vector<2048x1024xf32>
    %convert_element_type3A_20 = arith.extui %eq3A_19 : vector<2048x1024xi1> to vector<2048x1024xi32>
    %convert_element_type3A_21 = arith.sitofp %convert_element_type3A_20 : vector<2048x1024xi32> to vector<2048x1024xf32>
    %iota3A = tpu.iota {dimensions = array<i32: 1>} : vector<2048x1024xi32>
    %convert_element_type3A_22 = arith.sitofp %iota3A : vector<2048x1024xi32> to vector<2048x1024xf32>
    %mul3A_23 = arith.mulf %convert_element_type3A_21, %convert_element_type3A_22 : vector<2048x1024xf32>
    %reduce_sum3A_24 = arith.constant dense<0.000000e+00> : vector<2048xf32>
    %reduce_sum3A_25 = vector.multi_reduction <add>, %mul3A_23, %reduce_sum3A_24 [1] : vector<2048x1024xf32> to vector<2048xf32>
    %broadcast_in_dim3A_26 = vector.shape_cast %reduce_sum3A_25 : vector<2048xf32> to vector<2048x1xf32>
    %min3A = arith.constant 1.023000e+03 : f32
    %min3A_27 = vector.broadcast %min3A : f32 to vector<2048x1xf32>
    %min3A_28 = arith.minimumf %broadcast_in_dim3A_26, %min3A_27 : vector<2048x1xf32>
    %convert_element_type3A_29 = arith.fptosi %min3A_28 : vector<2048x1xf32> to vector<2048x1xi32>
    %swap3A = arith.constant 0 : index
    %swap3A_30 = arith.constant 0 : index
    %swap3A_31 = vector.load %arg3[%swap3A, %swap3A_30] : memref<2048x1xi32, #tpu.memory_space<vmem>>, vector<2048x1xi32>
    tpu.vector_store %arg3[%swap3A, %swap3A_30], %convert_element_type3A_29 {strides = array<i32>} : memref<2048x1xi32, #tpu.memory_space<vmem>>, vector<2048x1xi32>,
    %eq3A_32 = arith.constant 0 : i32
    %eq3A_33 = arith.cmpi eq, %arg0, %eq3A_32 : i32
    %convert_element_type3A_34 = arith.extui %eq3A_33 : i1 to i32
    %cond3A = arith.constant 0 : i32
    %cond3A_35 = arith.cmpi ne, %convert_element_type3A_34, %cond3A : i32
    scf.if %cond3A_35 {
      %broadcast_in_dim3A_63 = arith.constant 0.000000e+00 : f32
      %broadcast_in_dim3A_64 = vector.broadcast %broadcast_in_dim3A_63 : f32 to vector<1x1024xf32>
      %swap3A_65 = arith.constant 0 : index
      %swap3A_66 = arith.constant 0 : index
      %swap3A_67 = vector.load %arg4[%swap3A_65, %swap3A_66] : memref<1x1024xf32, #tpu.memory_space<vmem>>, vector<1x1024xf32>
      tpu.vector_store %arg4[%swap3A_65, %swap3A_66], %broadcast_in_dim3A_64 {strides = array<i32>} : memref<1x1024xf32, #tpu.memory_space<vmem>>, vector<1x1024xf32>,
      %swap3A_68 = arith.constant 0.000000e+00 : f32
      %swap3A_69 = arith.constant 0 : index
      %swap3A_70 = arith.constant 0 : index
      %swap3A_71 = memref.load %arg5[%swap3A_69, %swap3A_70] : memref<1x1xf32, #tpu.memory_space<smem>>
      memref.store %swap3A_68, %arg5[%swap3A_69, %swap3A_70] : memref<1x1xf32, #tpu.memory_space<smem>>
      %swap3A_72 = arith.constant 0.000000e+00 : f32
      %swap3A_73 = arith.constant 0 : index
      %swap3A_74 = arith.constant 0 : index
      %swap3A_75 = memref.load %arg6[%swap3A_73, %swap3A_74] : memref<1x1xf32, #tpu.memory_space<smem>>
      memref.store %swap3A_72, %arg6[%swap3A_73, %swap3A_74] : memref<1x1xf32, #tpu.memory_space<smem>>
    } else {
    }
    %get3A_36 = arith.constant 0 : index
    %get3A_37 = arith.constant 0 : index
    %get3A_38 = vector.load %arg4[%get3A_36, %get3A_37] : memref<1x1024xf32, #tpu.memory_space<vmem>>, vector<1x1024xf32>
    %reduce_sum3A_39 = arith.constant dense<0.000000e+00> : vector<1024xf32>
    %reduce_sum3A_40 = vector.multi_reduction <add>, %convert_element_type3A_21, %reduce_sum3A_39 [0] : vector<2048x1024xf32> to vector<1024xf32>
    %broadcast_in_dim3A_41 = vector.shape_cast %reduce_sum3A_40 : vector<1024xf32> to vector<1x1024xf32>
    %add3A_42 = arith.addf %get3A_38, %broadcast_in_dim3A_41 : vector<1x1024xf32>
    %swap3A_43 = arith.constant 0 : index
    %swap3A_44 = arith.constant 0 : index
    %swap3A_45 = vector.load %arg4[%swap3A_43, %swap3A_44] : memref<1x1024xf32, #tpu.memory_space<vmem>>, vector<1x1024xf32>
    tpu.vector_store %arg4[%swap3A_43, %swap3A_44], %add3A_42 {strides = array<i32>} : memref<1x1024xf32, #tpu.memory_space<vmem>>, vector<1x1024xf32>,
    %get3A_46 = arith.constant 0 : index
    %get3A_47 = arith.constant 0 : index
    %get3A_48 = memref.load %arg5[%get3A_46, %get3A_47] : memref<1x1xf32, #tpu.memory_space<smem>>
    %reduce_sum3A_49 = vector.shape_cast %broadcast_in_dim3A_18 : vector<2048x1xf32> to vector<1x2048x1xf32>
    %reduce_sum3A_50 = arith.constant dense<0.000000e+00> : vector<1xf32>
    %reduce_sum3A_51 = vector.multi_reduction <add>, %reduce_sum3A_49, %reduce_sum3A_50 [1, 2] : vector<1x2048x1xf32> to vector<1xf32>
    %reduce_sum3A_52 = vector.shape_cast %reduce_sum3A_51 : vector<1xf32> to vector<1x1x1xf32>
    %reduce_sum3A_53 = vector.extract %reduce_sum3A_52[0, 0, 0] : f32 from vector<1x1x1xf32>
    %add3A_54 = arith.addf %get3A_48, %reduce_sum3A_53 : f32
    %swap3A_55 = arith.constant 0 : index
    %swap3A_56 = arith.constant 0 : index
    %swap3A_57 = memref.load %arg5[%swap3A_55, %swap3A_56] : memref<1x1xf32, #tpu.memory_space<smem>>
    memref.store %add3A_54, %arg5[%swap3A_55, %swap3A_56] : memref<1x1xf32, #tpu.memory_space<smem>>
    %eq3A_58 = arith.constant 7 : i32
    %eq3A_59 = arith.cmpi eq, %arg0, %eq3A_58 : i32
    %convert_element_type3A_60 = arith.extui %eq3A_59 : i1 to i32
    %cond3A_61 = arith.constant 0 : i32
    %cond3A_62 = arith.cmpi ne, %convert_element_type3A_60, %cond3A_61 : i32
    scf.if %cond3A_62 {
      %get3A_63 = arith.constant 0 : index
      %get3A_64 = arith.constant 0 : index
      %get3A_65 = memref.load %arg5[%get3A_63, %get3A_64] : memref<1x1xf32, #tpu.memory_space<smem>>
      %mul3A_66 = arith.constant 2.38418579E-7 : f32
      %mul3A_67 = arith.mulf %get3A_65, %mul3A_66 : f32
      %swap3A_68 = arith.constant 0 : index
      %swap3A_69 = arith.constant 0 : index
      %swap3A_70 = memref.load %arg5[%swap3A_68, %swap3A_69] : memref<1x1xf32, #tpu.memory_space<smem>>
      memref.store %mul3A_67, %arg5[%swap3A_68, %swap3A_69] : memref<1x1xf32, #tpu.memory_space<smem>>
      %get3A_71 = arith.constant 0 : index
      %get3A_72 = arith.constant 0 : index
      %get3A_73 = vector.load %arg4[%get3A_71, %get3A_72] : memref<1x1024xf32, #tpu.memory_space<vmem>>, vector<1x1024xf32>
      %mul3A_74 = arith.constant 6.10351563E-5 : f32
      %mul3A_75 = vector.broadcast %mul3A_74 : f32 to vector<1x1024xf32>
      %mul3A_76 = arith.mulf %get3A_73, %mul3A_75 : vector<1x1024xf32>
      %add3A_77 = arith.constant 1.000000e-10 : f32
      %add3A_78 = vector.broadcast %add3A_77 : f32 to vector<1x1024xf32>
      %add3A_79 = arith.addf %mul3A_76, %add3A_78 : vector<1x1024xf32>
      %log3A = math.log %add3A_79 : vector<1x1024xf32>
      %mul3A_80 = arith.mulf %mul3A_76, %log3A : vector<1x1024xf32>
      %reduce_sum3A_81 = vector.shape_cast %mul3A_80 : vector<1x1024xf32> to vector<1x1x1024xf32>
      %reduce_sum3A_82 = arith.constant dense<0.000000e+00> : vector<1xf32>
      %reduce_sum3A_83 = vector.multi_reduction <add>, %reduce_sum3A_81, %reduce_sum3A_82 [1, 2] : vector<1x1x1024xf32> to vector<1xf32>
      %reduce_sum3A_84 = vector.shape_cast %reduce_sum3A_83 : vector<1xf32> to vector<1x1x1xf32>
      %reduce_sum3A_85 = vector.extract %reduce_sum3A_84[0, 0, 0] : f32 from vector<1x1x1xf32>
      %neg3A = arith.constant 0.000000e+00 : f32
      %neg3A_86 = arith.subf %neg3A, %reduce_sum3A_85 : f32
      %exp3A = math.exp %neg3A_86 : f32
      %swap3A_87 = arith.constant 0 : index
      %swap3A_88 = arith.constant 0 : index
      %swap3A_89 = memref.load %arg6[%swap3A_87, %swap3A_88] : memref<1x1xf32, #tpu.memory_space<smem>>
      memref.store %exp3A, %arg6[%swap3A_87, %swap3A_88] : memref<1x1xf32, #tpu.memory_space<smem>>
    } else {
    }
    return
  }
  func.func @transform_0(%arg0: i32) -> (i32, i32) {
    %c0_i32 = arith.constant 0 : i32
    %c0_i32_0 = arith.constant 0 : i32
    return %arg0, %c0_i32 : i32, i32
  }
  func.func @transform_1(%arg0: i32) -> (i32, i32) {
    %c0_i32 = arith.constant 0 : i32
    %c0_i32_0 = arith.constant 0 : i32
    %c0_i32_1 = arith.constant 0 : i32
    return %c0_i32, %c0_i32_0 : i32, i32
  }
  func.func @transform_2(%arg0: i32) -> (i32, i32) {
    %c0_i32 = arith.constant 0 : i32
    %c0_i32_0 = arith.constant 0 : i32
    return %arg0, %c0_i32 : i32, i32
  }
  func.func @transform_3(%arg0: i32) -> (i32, i32) {
    %c0_i32 = arith.constant 0 : i32
    %c0_i32_0 = arith.constant 0 : i32
    %c0_i32_1 = arith.constant 0 : i32
    return %c0_i32, %c0_i32_0 : i32, i32
  }
  func.func @transform_4(%arg0: i32) -> (i32, i32) {
    %c0_i32 = arith.constant 0 : i32
    %c0_i32_0 = arith.constant 0 : i32
    %c0_i32_1 = arith.constant 0 : i32
    return %c0_i32, %c0_i32_0 : i32, i32
  }
  func.func @transform_5(%arg0: i32) -> (i32, i32) {
    %c0_i32 = arith.constant 0 : i32
    %c0_i32_0 = arith.constant 0 : i32
    %c0_i32_1 = arith.constant 0 : i32
    return %c0_i32, %c0_i32_0 : i32, i32
  }
}

</mosaic_0001>

<sc_bundles>
// kernel: _vq_forward.4.cloned.1.call-start
scs
__scs_entry_jumppad:
0x0: {  	(pc) =	sbr.rel $0x88, $3  }
0x1: {  	(tag) =	ssettag $0x0;
	lr =	simm.s32 $0x1  }
0x2: {  	[smem:$0x3F9E] =	sst lr;
	_ =	strace $0xD0000000  }
0x3: {  	_ = 	snop  }
0x4: {  	_ = 	snop  }
0x5: {  	_ = 	snop  }
0x6: {  	_ = 	snop  }
0x7: {  	_ = 	snop  }
__scs_overlays_trampoline_lowered:
0x8: {  	[smem:$0x3FAD] =	sst s0  }
0x9: {  	[smem:$0x3FAE] =	sst s1  }
0xa: {  	[smem:$0x3FAF] =	sst s2  }
0xb: {  	[smem:$0x3FB0] =	sst s3  }
0xc: {  	[smem:$0x3FB1] =	sst s4  }
0xd: {  	[smem:$0x3FB2] =	sst s5  }
0xe: {  	[smem:$0x3FB3] =	sst s6  }
0xf: {  	[smem:$0x3FB4] =	sst s7  }
0x10: {  	[smem:$0x3FB5] =	sst s8  }
0x11: {  	[smem:$0x3FB6] =	sst s9;
	s0 =	simm.s32 @!p0 $0x0  }
0x12: {  	s1 =	sld [smem:$0x3F9C];
	s0 =	simm.s32 @p0 $0x1  }
0x13: {  	[smem:$0x3FB7] =	sst s0;
	s0 =	simm.s32 @!p1 $0x0  }
0x14: {  	s2 =	sld [smem:$0x3F9B];
	s0 =	simm.s32 @p1 $0x1  }
0x15: {  	[smem:$0x3FB8] =	sst s0;
	s0 =	simm.s32 @!p2 $0x0  }
0x16: {  	s3 =	sld [smem:$0x3FDB];
	s0 =	simm.s32 @p2 $0x1  }
0x17: {  	s4 =	simm.s32 $0x1BF5;
	[smem:$0x3FBA] =	sst s0  }
0x18: {  	s0 =	sld [smem:$0x3F9D];
	_ =	swait.ge [sflag:s4], $0x0  }
0x19: {  	s7 =	sld [smem:$0x3F9E]  }
0x1a: {  	s8 =	sadd.s32 $0xFFFFE003, lr  }
0x1b: {  	s9 =	sadd.s32 $0xFFFFFEF7, lr;
	s5 =	simm.s32 $0xFFFFFFFF;
	p2 =	slt.u32 s8, $0xFFFFF086  }
0x1c: {  	p1 =	slt.u32 s9, $0xF7A;
	s5 =	simm.s32 @!p2 $0x0  }
0x1d: {  	s5 =	simm.s32 @p1 $0x1;
	p0 =	seq.s32 s7, s2  }
0x1e: {  	s7 =	smul.u32 @!p0 $0xF7A, s2;
	p2 =	seq.s32 @!p0 s5, $0x0  }
0x1f: {  	s9 =	smul.u32 $0xF7A, s1;
	s8 =	simm.s32 @!p0 $0x1BF5;
	p2 =	por !p2, p0  }
0x20: {  	[sflag:s8] =	ssyncset.s32 @!p0 $0xFFFFF086;
	s6 =	sadd.s32 @!p0 s3, s7;
	s7 =	simm.s32 @!p0 $0x108  }
0x21: {  	s3 =	sadd.s32 s3, s9;
	s6 =	sadd.s32 @!p0 $0x88, s6;
	s7 =	simm.s32 @p2 $0x1082  }
0x22: {  	[simem:s7], [sflag:s8] =	dma.local @!p0 [hbm:s6], $0xF7A  }
0x23: {  	s9 =	sor.u32 $0xD0000000, s2;
	s6 =	simm.s32 $0x108;
	_ =	swait.ge @!p0 [sflag:s8], $0x0  }
0x24: {  	s3 =	sadd.s32 $0x88, s3;
	s6 =	simm.s32 @!p1 $0x1082;
	[sflag:s4] =	ssyncset.s32 $0xFFFFF086  }
0x25: {  	[simem:s6], [sflag:s4] =	dma.local [hbm:s3], $0xF7A  }
0x26: {  	[smem:$0x3F9E] =	sst s1;
	(tag) =	ssettag s2;
	_ =	strace s9  }
0x27: {  	s1 =	sld [smem:$0x3FAE]  }
0x28: {  	s2 =	sld [smem:$0x3FAF]  }
0x29: {  	s4 =	sld [smem:$0x3FB1]  }
0x2a: {  	p0 =	seq.s32 s5, $0x0;
	s5 =	sld [smem:$0x3FB2]  }
0x2b: {  	s6 =	sld [smem:$0x3FB3]  }
0x2c: {  	s7 =	sld [smem:$0x3FB4]  }
0x2d: {  	s3 =	simm.s32 $0x108;
	s8 =	sld [smem:$0x3FB5]  }
0x2e: {  	s3 =	simm.s32 @!p0 $0x1082;
	s9 =	sld [smem:$0x3FB6]  }
0x2f: {  	lr =	sadd.s32 s0, s3;
	s0 =	sld [smem:$0x3FAD]  }
0x30: {  	s3 =	sld [smem:$0x3FB0]  }
0x31: {  	[smem:$0x3FB9] =	sst s10  }
0x32: {  	s10 =	sld [smem:$0x3FB7];
	_ =	sdelay $0x3  }
0x33: {  	p0 =	seq.s32 s10, $0x1;
	s10 =	sld [smem:$0x3FB9];
	_ =	sdelay $0x3  }
0x34: {  	[smem:$0x3FB9] =	sst s10  }
0x35: {  	s10 =	sld [smem:$0x3FB8];
	_ =	sdelay $0x3  }
0x36: {  	p1 =	seq.s32 s10, $0x1;
	s10 =	sld [smem:$0x3FB9];
	_ =	sdelay $0x3  }
0x37: {  	[smem:$0x3FB9] =	sst s10  }
0x38: {  	s10 =	sld [smem:$0x3FBA]  }
0x39: {  	_ = 	snop;
	(pc) =	sbr.ind lr, $3  }
0x3a: {  	_ = 	snop  }
0x3b: {  	_ = 	snop  }
0x3c: {  	p2 =	seq.s32 s10, $0x1;
	s10 =	sld [smem:$0x3FB9]  }
0x3d: {  	_ =	shalt  }
0x3e: {  	_ =	shalt  }
0x3f: {  	_ =	shalt  }
0x40: {  	_ =	shalt  }
0x41: {  	_ =	shalt  }
0x42: {  	_ =	shalt  }
0x43: {  	_ =	shalt  }
0x44: {  	_ =	shalt  }
0x45: {  	_ =	shalt  }
0x46: {  	_ =	shalt  }
0x47: {  	_ =	shalt  }
0x48: {  	_ =	shalt  }
0x49: {  	_ =	shalt  }
0x4a: {  	_ =	shalt  }
0x4b: {  	_ =	shalt  }
0x4c: {  	_ =	shalt  }
0x4d: {  	_ =	shalt  }
0x4e: {  	_ =	shalt  }
0x4f: {  	_ =	shalt  }
0x50: {  	_ =	shalt  }
0x51: {  	_ =	shalt  }
0x52: {  	_ =	shalt  }
0x53: {  	_ =	shalt  }
0x54: {  	_ =	shalt  }
0x55: {  	_ =	shalt  }
0x56: {  	_ =	shalt  }
0x57: {  	_ =	shalt  }
0x58: {  	_ =	shalt  }
0x59: {  	_ =	shalt  }
0x5a: {  	_ =	shalt  }
0x5b: {  	_ =	shalt  }
0x5c: {  	_ =	shalt  }
0x5d: {  	_ =	shalt  }
0x5e: {  	_ =	shalt  }
0x5f: {  	_ =	shalt  }
0x60: {  	_ =	shalt  }
0x61: {  	_ =	shalt  }
0x62: {  	_ =	shalt  }
0x63: {  	_ =	shalt  }
0x64: {  	_ =	shalt  }
0x65: {  	_ =	shalt  }
0x66: {  	_ =	shalt  }
0x67: {  	_ =	shalt  }
0x68: {  	_ =	shalt  }
0x69: {  	_ =	shalt  }
0x6a: {  	_ =	shalt  }
0x6b: {  	_ =	shalt  }
0x6c: {  	_ =	shalt  }
0x6d: {  	_ =	shalt  }
0x6e: {  	_ =	shalt  }
0x6f: {  	_ =	shalt  }
0x70: {  	_ =	shalt  }
0x71: {  	_ =	shalt  }
0x72: {  	_ =	shalt  }
0x73: {  	_ =	shalt  }
0x74: {  	_ =	shalt  }
0x75: {  	_ =	shalt  }
0x76: {  	_ =	shalt  }
0x77: {  	_ =	shalt  }
0x78: {  	_ =	shalt  }
0x79: {  	_ =	shalt  }
0x7a: {  	_ =	shalt  }
0x7b: {  	_ =	shalt  }
0x7c: {  	_ =	shalt  }
0x7d: {  	_ =	shalt  }
0x7e: {  	_ =	shalt  }
0x7f: {  	_ =	shalt  }
0x80: {  	_ =	shalt  }
0x81: {  	_ =	shalt  }
0x82: {  	_ =	shalt  }
0x83: {  	_ =	shalt  }
0x84: {  	_ =	shalt  }
0x85: {  	_ =	shalt  }
0x86: {  	_ =	shalt  }
0x87: {  	_ =	shalt  }
.Lfunc_end0:
.L_simem_size_0:
called_computation_lowered:
.L_overlay_start_0:
0x88: {  	s2 =	sld [smem:$0x3FD9]  }
0x89: {  	s3 =	sld [smem:$0x3FFE];
	_ =	sdelay $0x1  }
0x8a: {  	s1 =	srdreg.scid  }
0x8b: {  	s0 =	sand.u32 $0x1, s1  }
0x8c: {  	s14 =	sshll.u32 s0, $0xA;
	s2 =	sadd.s32 s3, s2  }
0x8d: {  	s2 =	sadd.s32 s2, s14  }
0x8e: {  	[smem:$0x3FC5] =	sst s2  }
0x8f: {  	_ = 	snop  }
0x90: {  	s2 =	sld [smem:$0x3FD0];
	_ =	sdelay $0x2  }
0x91: {  	s4 =	simm.s32 $0xA;
	s5 =	simm.s32 $0x10;
	s15 =	sld [smem:$0x3FC7]  }
0x92: {  	[smem:s5], [sflag:s4] =	dma.local [hbm:s2], $0x1  }
0x93: {  	_ =	swait.eq [sflag:s4], $0x1  }
0x94: {  	[sflag:s4] =	ssyncset.done $0x0  }
0x95: {  	[sflag:s4] =	ssyncadd.s32 $0xFFFFFFFF  }
0x96: {  	s16 =	sld [smem:$0x10];
	(tm) =	ssettm $0x1  }
0x97: {  	s17 =	sld [smem:$0x3FFB];
	_ =	sdelay $0x3  }
0x98: {  	_ =	strace s17  }
0x99: {  	s4 =	sld [smem:$0x3FFC];
	_ =	sdelay $0x3  }
0x9a: {  	_ =	strace s4  }
0x9b: {  	s4 =	sld [smem:$0x3FFD];
	_ =	sdelay $0x3  }
0x9c: {  	_ =	strace s4  }
0x9d: {  	_ =	strace $0x8FFFFFFF  }
0x9e: {  	s18 =	sld [smem:$0x3FDB];
	_ =	sdelay $0x1  }
0x9f: {  	s19 =	simm.s32 $_scs_section_size  }
0xa0: {  	s6 =	simm.s32 $_size__tile_overlayer_lowered;
	s7 =	simm.s32 $_tile_overlayer_lowered  }
0xa1: {  	s22 =	simm.s32 $0x1BFF;
	s21 =	sshll.u32 s7, $0x1;
	s4 =	sadd.s32 s19, s18  }
0xa2: {  	s8 =	simm.s32 $0x0;
	s20 =	sshll.u32 s6, $0x1;
	s6 =	sadd.s32 s21, s4  }
0xa3: {  	[timem:s8], [sflag:s22] =	dma.local [hbm:s6], s20  }
0xa4: {  	_ =	swait.ge [sflag:s22], s20  }
0xa5: {  	s5 =	ssub.s32 $0x0, s20;
	[sflag:s22] =	ssyncset.done $0x0  }
0xa6: {  	[sflag:s22] =	ssyncadd.s32 s5;
	_ =	sdelay $0x1  }
0xa7: {  	s23 =	simm.s32 $0x1B8B  }
0xa8: {  	_ =	swait.ge [sflag:s23], $0x1  }
0xa9: {  	[sflag:s23] =	ssyncset.done $0x0  }
0xaa: {  	s25 =	simm.s32 $0x1B8E;
	s24 =	sld [smem:$0x3FFE];
	[sflag:s23] =	ssyncadd.s32 $0xFFFFFFFF  }
0xab: {  	s26 =	simm.s32 $execute0_lowered;
	[smem:$0x3FD2] =	sst s25  }
0xac: {  	s6 =	sshll.u32 s26, $0x1;
	_ =	strace $0x80000046;
	[dreg:$0x1] =	wrdreg $0xFFFFFFFF  }
0xad: {  	s28 =	simm.s32 $_size_execute0_lowered;
	s4 =	sadd.s32 s4, s6;
	[dreg:$0x0] =	wrdreg $0x0  }
0xae: {  	s6 =	sshll.u32 s28, $0x1;
	[dreg:$0x2] =	wrdreg s4  }
0xaf: {  	[dreg:$0x3] =	wrdreg s6  }
0xb0: {  	[dreg:$0x4] =	wrdreg $0xC0  }
0xb1: {  	_ =	task [dreg:s8], $0x5FFFF  }
0xb2: {  	[dreg:$0x1] =	wrdreg $0xFFFFFFFF  }
0xb3: {  	[dreg:$0x0] =	wrdreg $0x60  }
0xb4: {  	[dreg:$0x2] =	wrdreg s15  }
0xb5: {  	[dreg:$0x3] =	wrdreg s16  }
0xb6: {  	[dreg:$0x4] =	wrdreg s24  }
0xb7: {  	[dreg:$0x5] =	wrdreg $0x9  }
0xb8: {  	_ =	task.clear_ibuf [dreg:s8], $0x6FFFF;
	_ =	strace $0x90000046  }
0xb9: {  	s29 =	simm.s32 $0x9;
	_ =	strace $0x80000048  }
0xba: {  	_ =	swait.ge [sflag:s29], $0x1  }
0xbb: {  	[sflag:s29] =	ssyncadd.s32 $0xFFFFFFFF  }
0xbc: {  	_ =	strace $0x90000048  }
0xbd: {  	_ =	sfence  }
0xbe: {  	s30 =	sld [smem:$0x0];
	_ =	sdelay $0x2  }
0xbf: {  	s31 =	sshll.u32 s1, $0xD;
	s1 =	sshrl.u32 s1, $0x2  }
0xc0: {  	s3 =	sand.u32 $0x4000, s31;
	s1 =	sadd.s32 s1, s30  }
0xc1: {  	s0 =	sor.u32 s3, s0;
	s1 =	sshll.u32 s1, $0x11  }
0xc2: {  	s0 =	sor.u32 s1, s0  }
0xc3: {  	s0 =	sadd.s32 $0x8F2B, s0  }
0xc4: {  	[sflag:s0] =	ssyncadd.remote.s32 $0x1  }
0xc5: {  	_ =	sfence.sel $0xFFFF  }
0xc6: {  	[dreg:$0x0] =	wrdreg $0xFFFFFFFF;
	(pc) =	sbr.abs _section_cstart, $3  }
0xc7: {  	[dreg:$0x1] =	wrdreg $0xFFFFFFFF  }
0xc8: {  	_ =	task.clear_ibuf [dreg:s8], $0x2FFFF;
	_ =	strace $0x9FFFFFFF  }
0xc9: {  	(tm) =	ssettm $0x7FFFFFFF  }
tec
execute0_lowered:
.L_overlay_start_1:
0x0: {  	(tag) =	ssettag $0x1  }
0x1: {  	s1 =	rddreg [dreg:$0x0];
	s2 =	srdreg.scid  }
0x2: {  	s4 =	rddreg [dreg:$0x1];
	s0 =	stileid.u32;
	s14 =	sand.u32 $0x1, s2  }
0x3: {  	s15 =	rddreg [dreg:$0x2];
	s5 =	sshll.u32 s0, $0xA;
	s6 =	sshll.u32 s14, $0x9  }
0x4: {  	s3 =	simm.s32 $0x0;
	s2 =	rddreg [dreg:$0x3];
	s16 =	sor.u32 s6, s5  }
0x5: {  	[smem:$0x7FF] =	sst s3;
	s5 =	sshrl.u32 s16, $0x3  }
0x6: {  	_ =	strace $0x80000047;
	s5 =	sadd.s32 s4, s5;
	s4 =	simm.s32 $0x2  }
0x7: {  	[tilespmem:s3], [sflag:$0x2] =	stream.linear.gather [hbm4b:s5+s3], $0x200, $0x38;
	[tilespmem:$0x10200] =	vst v63  }
0x8: {  	_ =	swait.ge [sflag:s4], $0x200  }
0x9: {  	[sflag:s4] =	ssyncset.done $0x0  }
0xa: {  	s7 =	simm.s32 $0x200;
	s6 =	simm.s32 $0x80;
	[sflag:s4] =	ssyncadd.s32 $0xFFFFFE00  }
0xb: {  	[tilespmem:s7], [sflag:$0x1] =	stream.indirect.gather [hbm4b:s1+s6], $0x80, s3, s6, $0xb8;
	[tilespmem:$0x10200] =	vst v63  }
0xc: {  	s8 =	simm.s32 $0x4200  }
0xd: {  	[tilespmem:s8], [sflag:$0x1] =	stream.indirect.gather [hbm4b:s1+s6], $0x80, s6, s6, $0xb8;
	[tilespmem:$0x10200] =	vst v63  }
0xe: {  	s9 =	simm.s32 $0x100;
	s10 =	simm.s32 $0x8200  }
0xf: {  	[tilespmem:s10], [sflag:$0x1] =	stream.indirect.gather [hbm4b:s1+s6], $0x80, s9, s6, $0xb8;
	[tilespmem:$0x10200] =	vst v63  }
0x10: {  	s11 =	simm.s32 $0x180;
	s12 =	simm.s32 $0xC200;
	s13 =	simm.s32 $0x1  }
0x11: {  	[tilespmem:s12], [sflag:$0x1] =	stream.indirect.gather [hbm4b:s1+s6], $0x80, s11, s6, $0xb8;
	[tilespmem:$0x10200] =	vst v63  }
0x12: {  	_ =	swait.ge [sflag:s13], $0x4000  }
0x13: {  	[sflag:s13] =	ssyncset.done $0x0  }
0x14: {  	[sflag:s13] =	ssyncadd.s32 $0xFFFFC000  }
0x15: {  	_ =	swait.ge [sflag:s13], $0x4000  }
0x16: {  	[sflag:s13] =	ssyncset.done $0x0  }
0x17: {  	s14 =	ssub.s32 $0x2, s14;
	[sflag:s13] =	ssyncadd.s32 $0xFFFFC000  }
0x18: {  	s17 =	sshrl.u32 s14, $0x1;
	_ =	swait.ge [sflag:s13], $0x4000  }
0x19: {  	s30 =	ssub.s32 s14, s17;
	[sflag:s13] =	ssyncset.done $0x0  }
0x1a: {  	s31 =	smax.u32 s30, $0x1;
	[sflag:s13] =	ssyncadd.s32 $0xFFFFC000  }
0x1b: {  	s16 =	sshll.u32 s16, $0x4;
	p0 =	sne.s32 s31, $0x1;
	_ =	swait.ge [sflag:s13], $0x4000  }
.Ltmp0:
0x1c: {  	s15 =	sadd.s32 s16, s15;
	[sflag:s13] =	ssyncset.done $0x0;
	(pc) =	sbr.rel @!p0 .LBB2_2-.Ltmp0, $4  }
0x1d: {  	s14 =	sadd.s32 $0x400, s15;
	[sflag:s13] =	ssyncadd.s32 $0xFFFFC000  }
0x1e: {  	[hbm4b:s14+s3] =	stream.linear.scatter [tilespmem:s7], [sflag:$0x2], $0x10000, $0x38;
	[tilespmem:$0x10200] =	vst v63  }
0x1f: {  	_ =	swait.ge [sflag:s4], $0x10000  }
0x20: {  	s15 =	sadd.s32 $0xFFFFFFFF, s31;
	[sflag:s4] =	ssyncset.done $0x0  }
.LBB2_1:
0x21: {  	p0 =	sne.s32 s15, $0x1;
	s15 =	sadd.s32 $0xFFFFFFFF, s15;
	[sflag:s4] =	ssyncadd.s32 $0xFFFF0000  }
0x22: {  	[tilespmem:s3], [sflag:$0x2] =	stream.linear.gather [hbm4b:s5+s3], $0x200, $0x38;
	[tilespmem:$0x10200] =	vst v63  }
0x23: {  	_ =	swait.ge [sflag:s4], $0x200  }
0x24: {  	[sflag:s4] =	ssyncset.done $0x0  }
0x25: {  	[sflag:s4] =	ssyncadd.s32 $0xFFFFFE00  }
0x26: {  	[tilespmem:s7], [sflag:$0x1] =	stream.indirect.gather [hbm4b:s1+s6], $0x80, s3, s6, $0xb8;
	[tilespmem:$0x10200] =	vst v63  }
0x27: {  	_ = 	snop  }
0x28: {  	[tilespmem:s8], [sflag:$0x1] =	stream.indirect.gather [hbm4b:s1+s6], $0x80, s6, s6, $0xb8;
	[tilespmem:$0x10200] =	vst v63  }
0x29: {  	_ = 	snop  }
0x2a: {  	[tilespmem:s10], [sflag:$0x1] =	stream.indirect.gather [hbm4b:s1+s6], $0x80, s9, s6, $0xb8;
	[tilespmem:$0x10200] =	vst v63  }
0x2b: {  	_ = 	snop  }
0x2c: {  	[tilespmem:s12], [sflag:$0x1] =	stream.indirect.gather [hbm4b:s1+s6], $0x80, s11, s6, $0xb8;
	[tilespmem:$0x10200] =	vst v63  }
0x2d: {  	_ =	swait.ge [sflag:s13], $0x4000  }
0x2e: {  	[sflag:s13] =	ssyncset.done $0x0  }
0x2f: {  	[sflag:s13] =	ssyncadd.s32 $0xFFFFC000  }
0x30: {  	_ =	swait.ge [sflag:s13], $0x4000  }
0x31: {  	[sflag:s13] =	ssyncset.done $0x0  }
0x32: {  	[sflag:s13] =	ssyncadd.s32 $0xFFFFC000  }
0x33: {  	_ =	swait.ge [sflag:s13], $0x4000  }
0x34: {  	[sflag:s13] =	ssyncset.done $0x0  }
0x35: {  	[sflag:s13] =	ssyncadd.s32 $0xFFFFC000  }
0x36: {  	_ =	swait.ge [sflag:s13], $0x4000  }
.Ltmp1:
0x37: {  	[sflag:s13] =	ssyncset.done $0x0;
	(pc) =	sbr.rel @p0 .LBB2_1-.Ltmp1, $4  }
0x38: {  	[sflag:s13] =	ssyncadd.s32 $0xFFFFC000  }
0x39: {  	[hbm4b:s14+s3] =	stream.linear.scatter [tilespmem:s7], [sflag:$0x2], $0x10000, $0x38;
	[tilespmem:$0x10200] =	vst v63  }
0x3a: {  	_ =	swait.ge [sflag:s4], $0x10000  }
0x3b: {  	[sflag:s4] =	ssyncset.done $0x0  }
.LBB2_2:
0x3c: {  	[sflag:s4] =	ssyncadd.s32 $0xFFFF0000  }
0x3d: {  	_ =	sfence.sel $0x180000  }
0x3e: {  	[bflag:$0x0] =	sbarrier.arrive $0xFFFF  }
0x3f: {  	p0 =	sne.s32 s0, $0x0;
	_ =	strace $0x90000047  }
0x40: {  	s0 =	sadd.s32 @!p0 $0x100000, s2;
	[bflag:$0x2] =	sbarrier.arrive $0xFFFF  }
0x41: {  	[sflag:s0] =	ssyncadd.tile.s32 @!p0 $0x1;
	_ =	shalt  }
.Lfunc_end2:
_tile_overlayer_lowered:
.L_overlay_start_2:
0x42: {  	(tag) =	ssettag $0x2  }
0x43: {  	s0 =	rddreg [dreg:$0x0];
	s2 =	stileid.u32  }
0x44: {  	s1 =	rddreg [dreg:$0x1];
	p0 =	sne.s32 s2, $0x0  }
0x45: {  	s3 =	rddreg [dreg:$0x2];
	[bflag:$0x3] =	sbarrier.arrive $0xFFFF;
	s2 =	simm.s32 @!p0 $0x1C02  }
0x46: {  	[timem:s3], [sflag:s2] =	dma.local @!p0 [hbm:s0], s1  }
0x47: {  	s0 =	simm.s32 @!p0 $0x2  }
0x48: {  	_ =	swait.ge @!p0 [sflag:s0], s1  }
0x49: {  	s1 =	ssub.s32 @!p0 $0x0, s1;
	[sflag:s0] =	ssyncset.done @!p0 $0x0  }
0x4a: {  	[sflag:s0] =	ssyncadd.s32 @!p0 s1  }
0x4b: {  	[bflag:$0x3] =	sbarrier.arrive $0xFFFF  }
0x4c: {  	_ =	shalt  }

</sc_bundles>
